<compile_context>
chip_gen: v7x
topology: tpu7x:2x2x1
jax: 0.10.2.dev20260603
libtpu: 0.0.44.dev20260713+nightly
codegen_flags: <defaults>
</compile_context>

<pallas_src>
import functools
import jax
import jax.numpy as jnp
from jax import lax
from jax.experimental import pallas as pl
from jax.experimental.pallas import tpu as pltpu
from jax.experimental.pallas import tpu_sc as plsc

D = 64
DP = 128
SCALE = 8.0
G = 128
GPC = 2
C = G * GPC
NC = 2
NS = 16
NW = NC * NS
TB = 2048
SLABS = 4


def _t1_body(in_ref, out_ref):
    out_ref[:, 0:D] = in_ref[...].T * SCALE


def _table_rows(tT):
    v = tT.shape[1]
    return pl.pallas_call(
        _t1_body,
        grid=(pl.cdiv(v, TB),),
        in_specs=[pl.BlockSpec((D, TB), lambda i: (0, i))],
        out_specs=pl.BlockSpec((TB, DP), lambda i: (i, 0)),
        out_shape=jax.ShapeDtypeStruct((v, DP), jnp.float32),
    )(tT)


def _t2_body(in_ref, out_ref):
    out_ref[0] = in_ref[:, 0:D].T


def _t2_acc_body(in_ref, prev_ref, out_ref):
    out_ref[0] = in_ref[:, 0:D].T


def _to_feature_major(interm, nbs, na, nb, s, out_prev=None):
    out_map = lambda i: (i + s * nbs, 0, 0)
    if out_prev is None:
        return pl.pallas_call(
            _t2_body,
            grid=(nbs,),
            in_specs=[pl.BlockSpec((na, DP), lambda i: (i, 0))],
            out_specs=pl.BlockSpec((1, D, na), out_map),
            out_shape=jax.ShapeDtypeStruct((nb, D, na), jnp.float32),
        )(interm)
    return pl.pallas_call(
        _t2_acc_body,
        grid=(nbs,),
        in_specs=[
            pl.BlockSpec((na, DP), lambda i: (i, 0)),
            pl.BlockSpec((1, 8, 128), lambda i: (0, 0, 0)),
        ],
        out_specs=pl.BlockSpec((1, D, na), out_map),
        out_shape=jax.ShapeDtypeStruct((nb, D, na), jnp.float32),
        input_output_aliases={1: 0},
    )(interm, out_prev)


def _gather_body(n, x_hbm, t_hbm, out_hbm, idx_v, rows_v, isem, gsem, osem):
    wid = lax.axis_index("s") * NC + lax.axis_index("c")
    per_w = n // (NW * C)

    def start_idx(t, buf):
        n0 = (t * NW + wid) * C
        pltpu.async_copy(x_hbm.at[pl.ds(n0, C)], idx_v.at[buf], isem)

    def start_gather(t, buf):
        pltpu.make_async_copy(x_hbm.at[pl.ds(0, C)],
                              idx_v.at[buf], isem).wait()
        for j in range(GPC):
            pltpu.async_copy(
                t_hbm.at[idx_v.at[buf, pl.ds(j * G, G)]],
                rows_v.at[buf, pl.ds(j * G, G)],
                gsem,
            )

    def drain_out(buf):
        pltpu.make_async_copy(
            t_hbm.at[pl.ds(0, C)],
            rows_v.at[buf], osem).wait()

    start_idx(0, 0)
    start_gather(0, 0)
    start_idx(1, 1)

    def tile_body(t, carry):
        buf = lax.rem(t, 2)
        n0 = (t * NW + wid) * C

        @pl.when(t >= 1)
        def _():
            drain_out(1 - buf)

        @pl.when(t + 1 < per_w)
        def _():
            start_gather(t + 1, 1 - buf)

        pltpu.make_async_copy(t_hbm.at[pl.ds(0, C)],
                              rows_v.at[buf], gsem).wait()

        @pl.when(t + 2 < per_w)
        def _():
            start_idx(t + 2, buf)

        pltpu.async_copy(rows_v.at[buf],
                         out_hbm.at[pl.ds(n0, C)], osem)
        return carry

    lax.fori_loop(0, per_w, tile_body, 0)
    drain_out(lax.rem(per_w - 1, 2))


@functools.partial(jax.jit, static_argnames=("n",))
def _sc_gather(xf, trows, n):
    mesh = plsc.VectorSubcoreMesh(core_axis_name="c", subcore_axis_name="s")
    k = pl.kernel(
        functools.partial(_gather_body, n),
        mesh=mesh,
        compiler_params=pltpu.CompilerParams(needs_layout_passes=False),
        out_type=jax.ShapeDtypeStruct((n, DP), jnp.float32),
        scratch_types=[
            pltpu.VMEM((2, C), jnp.int32),
            pltpu.VMEM((2, C, DP), jnp.float32),
            pltpu.SemaphoreType.DMA,
            pltpu.SemaphoreType.DMA,
            pltpu.SemaphoreType.DMA,
        ],
    )
    return k(xf, trows)


def kernel(x, table):
    na, nb = x.shape
    n = na * nb
    trows = _table_rows(table.T)
    xf = jnp.reshape(x.T, (n,))
    ns = n // SLABS
    nbs = nb // SLABS
    outp = None
    for s in range(SLABS):
        interm = _sc_gather(xf[s * ns:(s + 1) * ns], trows, ns)
        outp = _to_feature_major(interm, nbs, na, nb, s, outp)
    return outp.transpose(2, 0, 1)

# --- scband reference (transcript-rebuilt; emitter-appended) ---
"""Pipeline reference for scband-embedding-79207786872939 (READ-ONLY COPY).

The authoritative reference and input builder live on the scoring server;
editing this copy changes nothing except your own understanding.
"""

import jax, jax.numpy as jnp
import numpy as np
import math

VOCAB = 1000000
D_MODEL = 64

def setup_inputs(seed: int = 0) -> dict:
    key = jax.random.key(seed)
    k1, k2 = jax.random.split(key)
    x = jax.random.randint(k1, (4096, 200), 0, VOCAB, dtype=jnp.int64 if jax.config.jax_enable_x64 else jnp.int32)
    table = jax.random.normal(k2, (VOCAB, D_MODEL), dtype=jnp.float32)
    return {"x": x, "table": table}

def reference(x, table):
    embeddings = jnp.take(table, x, axis=0)
    return embeddings * math.sqrt(D_MODEL)

if __name__ == "__main__":
    import jax
    _d = setup_inputs()
    print(jax.jit(kernel)(*tuple(_d.values())))

</pallas_src>

<mosaic_0001>
#map = affine_map<(d0, d1) -> (0)>
#map1 = affine_map<(d0, d1) -> (0, 0)>
module attributes {stable_mosaic.version = 14 : i64} {
  func.func @_gather_body(%arg0: i32, %arg1: i32, %arg2: memref<204800xi32, #tpu.memory_space<hbm>>, %arg3: memref<1000000x128xf32, #tpu.memory_space<hbm>>, %arg4: memref<204800x128xf32, #tpu.memory_space<hbm>>, %arg5: memref<2x256xi32, #tpu.memory_space<vmem>>, %arg6: memref<2x256x128xf32, #tpu.memory_space<vmem>>, %arg7: memref<!tpu.dma_semaphore, #tpu.memory_space<semaphore_mem>>, %arg8: memref<!tpu.dma_semaphore, #tpu.memory_space<semaphore_mem>>, %arg9: memref<!tpu.dma_semaphore, #tpu.memory_space<semaphore_mem>>) attributes {dimension_semantics = [#tpu.dimension_semantics<core_parallel>, #tpu.dimension_semantics<subcore_parallel>], iteration_bounds = array<i64: 2, 16>, scalar_prefetch = 0 : i64, scratch_operands = 5 : i64, tpu.core_type = #tpu.core_type<sc_vector_subcore>, window_params = [{transform_indices = #map}, {transform_indices = #map1}, {transform_indices = #map1}]} {
    %mul3A = arith.constant 2 : i32
    %mul3A_0 = arith.muli %arg1, %mul3A : i32
    %add3A = arith.addi %mul3A_0, %arg0 : i32
    %add3A_1 = arith.constant 0 : i32
    %add3A_2 = arith.addi %add3A_1, %add3A : i32
    %mul3A_3 = arith.constant 256 : i32
    %mul3A_4 = arith.muli %add3A_2, %mul3A_3 : i32
    %dma_start3A = arith.constant 0 : i32
    %dma_start3A_5 = arith.constant 0 : i32
    %dma_start3A_6 = tpu.memref_slice %arg5[%dma_start3A, %dma_start3A_5] : memref<2x256xi32, #tpu.memory_space<vmem>> -> memref<1x256xi32, #tpu.memory_space<vmem>>
    %dma_start3A_7 = tpu.memref_squeeze %dma_start3A_6 : memref<1x256xi32, #tpu.memory_space<vmem>> -> memref<256xi32, #tpu.memory_space<vmem>>
    %dma_start3A_8 = tpu.memref_slice %arg2[%mul3A_4] : memref<204800xi32, #tpu.memory_space<hbm>> -> memref<256xi32, #tpu.memory_space<hbm>>
    %dma_start3A_9 = arith.constant 0 : i32
    %dma_start3A_10 = tpu.memref_slice %arg5[%dma_start3A, %dma_start3A_9] : memref<2x256xi32, #tpu.memory_space<vmem>> -> memref<1x256xi32, #tpu.memory_space<vmem>>
    %dma_start3A_11 = tpu.memref_squeeze %dma_start3A_10 : memref<1x256xi32, #tpu.memory_space<vmem>> -> memref<256xi32, #tpu.memory_space<vmem>>
    %dma_start3A_12 = tpu.memref_slice %arg2[%mul3A_4] : memref<204800xi32, #tpu.memory_space<hbm>> -> memref<256xi32, #tpu.memory_space<hbm>>
    tpu.enqueue_dma source(%dma_start3A_12 : memref<256xi32, #tpu.memory_space<hbm>>) target(%dma_start3A_11 : memref<256xi32, #tpu.memory_space<vmem>>) target_semaphore(%arg7 : memref<!tpu.dma_semaphore, #tpu.memory_space<semaphore_mem>>)
    %dma_wait3A = arith.constant 0 : i32
    %dma_wait3A_13 = arith.constant 0 : i32
    %dma_wait3A_14 = tpu.memref_slice %arg5[%dma_wait3A, %dma_wait3A_13] : memref<2x256xi32, #tpu.memory_space<vmem>> -> memref<1x256xi32, #tpu.memory_space<vmem>>
    %dma_wait3A_15 = tpu.memref_squeeze %dma_wait3A_14 : memref<1x256xi32, #tpu.memory_space<vmem>> -> memref<256xi32, #tpu.memory_space<vmem>>
    %dma_wait3A_16 = arith.constant 0 : i32
    %dma_wait3A_17 = tpu.memref_slice %arg2[%dma_wait3A_16] : memref<204800xi32, #tpu.memory_space<hbm>> -> memref<256xi32, #tpu.memory_space<hbm>>
    %dma_wait3A_18 = arith.constant 0 : i32
    %dma_wait3A_19 = tpu.memref_slice %arg5[%dma_wait3A, %dma_wait3A_18] : memref<2x256xi32, #tpu.memory_space<vmem>> -> memref<1x256xi32, #tpu.memory_space<vmem>>
    %dma_wait3A_20 = tpu.memref_squeeze %dma_wait3A_19 : memref<1x256xi32, #tpu.memory_space<vmem>> -> memref<256xi32, #tpu.memory_space<vmem>>
    %dma_wait3A_21 = arith.constant 0 : i32
    %dma_wait3A_22 = tpu.memref_slice %arg2[%dma_wait3A_21] : memref<204800xi32, #tpu.memory_space<hbm>> -> memref<256xi32, #tpu.memory_space<hbm>>
    tpu.wait_dma2 semaphore(%arg7 : memref<!tpu.dma_semaphore, #tpu.memory_space<semaphore_mem>>) src(%dma_wait3A_22 : memref<256xi32, #tpu.memory_space<hbm>>) dst(%dma_wait3A_20 : memref<256xi32, #tpu.memory_space<vmem>>)
    %dma_start3A_23 = arith.constant 0 : i32
    %dma_start3A_24 = arith.constant 0 : i32
    %dma_start3A_25 = arith.constant 0 : i32
    %dma_start3A_26 = arith.constant 0 : i32
    %dma_start3A_27 = tpu.memref_slice %arg6[%dma_start3A_24, %dma_start3A_25, %dma_start3A_26] : memref<2x256x128xf32, #tpu.memory_space<vmem>> -> memref<1x128x128xf32, #tpu.memory_space<vmem>>
    %dma_start3A_28 = tpu.memref_squeeze %dma_start3A_27 : memref<1x128x128xf32, #tpu.memory_space<vmem>> -> memref<128x128xf32, #tpu.memory_space<vmem>>
    %dma_start3A_29 = arith.constant 0 : i32
    %dma_start3A_30 = tpu.memref_slice %arg5[%dma_start3A_23, %dma_start3A_29] : memref<2x256xi32, #tpu.memory_space<vmem>> -> memref<1x128xi32, #tpu.memory_space<vmem>>
    %dma_start3A_31 = tpu.memref_squeeze %dma_start3A_30 : memref<1x128xi32, #tpu.memory_space<vmem>> -> memref<128xi32, #tpu.memory_space<vmem>>
    %dma_start3A_32 = arith.constant 0 : i32
    %dma_start3A_33 = arith.constant 0 : i32
    %dma_start3A_34 = tpu.memref_slice %arg3[%dma_start3A_32, %dma_start3A_33] : memref<1000000x128xf32, #tpu.memory_space<hbm>> -> memref<1000000x128xf32, #tpu.memory_space<hbm>>
    tpu.enqueue_indirect_dma source(%dma_start3A_34 : memref<1000000x128xf32, #tpu.memory_space<hbm>>) target(%dma_start3A_28 : memref<128x128xf32, #tpu.memory_space<vmem>>) offsets(%dma_start3A_31 : memref<128xi32, #tpu.memory_space<vmem>>) semaphore(%arg8 : memref<!tpu.dma_semaphore, #tpu.memory_space<semaphore_mem>>)
    %dma_start3A_35 = arith.constant 0 : i32
    %dma_start3A_36 = arith.constant 0 : i32
    %dma_start3A_37 = arith.constant 128 : i32
    %dma_start3A_38 = arith.constant 0 : i32
    %dma_start3A_39 = tpu.memref_slice %arg6[%dma_start3A_36, %dma_start3A_37, %dma_start3A_38] : memref<2x256x128xf32, #tpu.memory_space<vmem>> -> memref<1x128x128xf32, #tpu.memory_space<vmem>>
    %dma_start3A_40 = tpu.memref_squeeze %dma_start3A_39 : memref<1x128x128xf32, #tpu.memory_space<vmem>> -> memref<128x128xf32, #tpu.memory_space<vmem>>
    %dma_start3A_41 = arith.constant 128 : i32
    %dma_start3A_42 = tpu.memref_slice %arg5[%dma_start3A_35, %dma_start3A_41] : memref<2x256xi32, #tpu.memory_space<vmem>> -> memref<1x128xi32, #tpu.memory_space<vmem>>
    %dma_start3A_43 = tpu.memref_squeeze %dma_start3A_42 : memref<1x128xi32, #tpu.memory_space<vmem>> -> memref<128xi32, #tpu.memory_space<vmem>>
    %dma_start3A_44 = arith.constant 0 : i32
    %dma_start3A_45 = arith.constant 0 : i32
    %dma_start3A_46 = tpu.memref_slice %arg3[%dma_start3A_44, %dma_start3A_45] : memref<1000000x128xf32, #tpu.memory_space<hbm>> -> memref<1000000x128xf32, #tpu.memory_space<hbm>>
    tpu.enqueue_indirect_dma source(%dma_start3A_46 : memref<1000000x128xf32, #tpu.memory_space<hbm>>) target(%dma_start3A_40 : memref<128x128xf32, #tpu.memory_space<vmem>>) offsets(%dma_start3A_43 : memref<128xi32, #tpu.memory_space<vmem>>) semaphore(%arg8 : memref<!tpu.dma_semaphore, #tpu.memory_space<semaphore_mem>>)
    %add3A_47 = arith.constant 32 : i32
    %add3A_48 = arith.addi %add3A_47, %add3A : i32
    %mul3A_49 = arith.constant 256 : i32
    %mul3A_50 = arith.muli %add3A_48, %mul3A_49 : i32
    %dma_start3A_51 = arith.constant 1 : i32
    %dma_start3A_52 = arith.constant 0 : i32
    %dma_start3A_53 = tpu.memref_slice %arg5[%dma_start3A_51, %dma_start3A_52] : memref<2x256xi32, #tpu.memory_space<vmem>> -> memref<1x256xi32, #tpu.memory_space<vmem>>
    %dma_start3A_54 = tpu.memref_squeeze %dma_start3A_53 : memref<1x256xi32, #tpu.memory_space<vmem>> -> memref<256xi32, #tpu.memory_space<vmem>>
    %dma_start3A_55 = tpu.memref_slice %arg2[%mul3A_50] : memref<204800xi32, #tpu.memory_space<hbm>> -> memref<256xi32, #tpu.memory_space<hbm>>
    %dma_start3A_56 = arith.constant 0 : i32
    %dma_start3A_57 = tpu.memref_slice %arg5[%dma_start3A_51, %dma_start3A_56] : memref<2x256xi32, #tpu.memory_space<vmem>> -> memref<1x256xi32, #tpu.memory_space<vmem>>
    %dma_start3A_58 = tpu.memref_squeeze %dma_start3A_57 : memref<1x256xi32, #tpu.memory_space<vmem>> -> memref<256xi32, #tpu.memory_space<vmem>>
    %dma_start3A_59 = tpu.memref_slice %arg2[%mul3A_50] : memref<204800xi32, #tpu.memory_space<hbm>> -> memref<256xi32, #tpu.memory_space<hbm>>
    tpu.enqueue_dma source(%dma_start3A_59 : memref<256xi32, #tpu.memory_space<hbm>>) target(%dma_start3A_58 : memref<256xi32, #tpu.memory_space<vmem>>) target_semaphore(%arg7 : memref<!tpu.dma_semaphore, #tpu.memory_space<semaphore_mem>>)
    %scan3A = arith.constant 0 : i32
    %scan3A_60 = arith.constant 0 : i32
    %scan3A_61 = arith.constant 25 : i32
    %scan3A_62 = arith.addi %scan3A_60, %scan3A_61 : i32
    %scan3A_63 = arith.constant 1 : i32
    scf.for %scan3A_81 = %scan3A_60 to %scan3A_62 step %scan3A_63  : i32 {
      %rem3A_82 = arith.constant 2 : i32
      %rem3A_83 = arith.remsi %scan3A_81, %rem3A_82 : i32
      %mul3A_84 = arith.constant 32 : i32
      %mul3A_85 = arith.muli %scan3A_81, %mul3A_84 : i32
      %add3A_86 = arith.addi %mul3A_85, %add3A : i32
      %mul3A_87 = arith.constant 256 : i32
      %mul3A_88 = arith.muli %add3A_86, %mul3A_87 : i32
      %ge3A = arith.constant 1 : i32
      %ge3A_89 = arith.cmpi sge, %scan3A_81, %ge3A : i32
      %convert_element_type3A = arith.extui %ge3A_89 : i1 to i32
      %cond3A = arith.constant 0 : i32
      %cond3A_90 = arith.cmpi ne, %convert_element_type3A, %cond3A : i32
      scf.if %cond3A_90 {
        %sub3A = arith.constant 1 : i32
        %sub3A_130 = arith.subi %sub3A, %rem3A_83 : i32
        %dma_wait3A_131 = arith.constant 0 : i32
        %dma_wait3A_132 = arith.constant 0 : i32
        %dma_wait3A_133 = tpu.memref_slice %arg6[%sub3A_130, %dma_wait3A_131, %dma_wait3A_132] : memref<2x256x128xf32, #tpu.memory_space<vmem>> -> memref<1x256x128xf32, #tpu.memory_space<vmem>>
        %dma_wait3A_134 = tpu.memref_squeeze %dma_wait3A_133 : memref<1x256x128xf32, #tpu.memory_space<vmem>> -> memref<256x128xf32, #tpu.memory_space<vmem>>
        %dma_wait3A_135 = arith.constant 0 : i32
        %dma_wait3A_136 = arith.constant 0 : i32
        %dma_wait3A_137 = tpu.memref_slice %arg3[%dma_wait3A_135, %dma_wait3A_136] : memref<1000000x128xf32, #tpu.memory_space<hbm>> -> memref<256x128xf32, #tpu.memory_space<hbm>>
        %dma_wait3A_138 = arith.constant 0 : i32
        %dma_wait3A_139 = arith.constant 0 : i32
        %dma_wait3A_140 = tpu.memref_slice %arg6[%sub3A_130, %dma_wait3A_138, %dma_wait3A_139] : memref<2x256x128xf32, #tpu.memory_space<vmem>> -> memref<1x256x128xf32, #tpu.memory_space<vmem>>
        %dma_wait3A_141 = tpu.memref_squeeze %dma_wait3A_140 : memref<1x256x128xf32, #tpu.memory_space<vmem>> -> memref<256x128xf32, #tpu.memory_space<vmem>>
        %dma_wait3A_142 = arith.constant 0 : i32
        %dma_wait3A_143 = arith.constant 0 : i32
        %dma_wait3A_144 = tpu.memref_slice %arg3[%dma_wait3A_142, %dma_wait3A_143] : memref<1000000x128xf32, #tpu.memory_space<hbm>> -> memref<256x128xf32, #tpu.memory_space<hbm>>
        tpu.wait_dma2 semaphore(%arg9 : memref<!tpu.dma_semaphore, #tpu.memory_space<semaphore_mem>>) src(%dma_wait3A_144 : memref<256x128xf32, #tpu.memory_space<hbm>>) dst(%dma_wait3A_141 : memref<256x128xf32, #tpu.memory_space<vmem>>)
      } else {
      }
      %add3A_91 = arith.constant 1 : i32
      %add3A_92 = arith.addi %scan3A_81, %add3A_91 : i32
      %lt3A = arith.constant 25 : i32
      %lt3A_93 = arith.cmpi slt, %add3A_92, %lt3A : i32
      %convert_element_type3A_94 = arith.extui %lt3A_93 : i1 to i32
      %cond3A_95 = arith.constant 0 : i32
      %cond3A_96 = arith.cmpi ne, %convert_element_type3A_94, %cond3A_95 : i32
      scf.if %cond3A_96 {
        %add3A_130 = arith.constant 1 : i32
        %add3A_131 = arith.addi %scan3A_81, %add3A_130 : i32
        %sub3A = arith.constant 1 : i32
        %sub3A_132 = arith.subi %sub3A, %rem3A_83 : i32
        %dma_wait3A_133 = arith.constant 0 : i32
        %dma_wait3A_134 = tpu.memref_slice %arg5[%sub3A_132, %dma_wait3A_133] : memref<2x256xi32, #tpu.memory_space<vmem>> -> memref<1x256xi32, #tpu.memory_space<vmem>>
        %dma_wait3A_135 = tpu.memref_squeeze %dma_wait3A_134 : memref<1x256xi32, #tpu.memory_space<vmem>> -> memref<256xi32, #tpu.memory_space<vmem>>
        %dma_wait3A_136 = arith.constant 0 : i32
        %dma_wait3A_137 = tpu.memref_slice %arg2[%dma_wait3A_136] : memref<204800xi32, #tpu.memory_space<hbm>> -> memref<256xi32, #tpu.memory_space<hbm>>
        %dma_wait3A_138 = arith.constant 0 : i32
        %dma_wait3A_139 = tpu.memref_slice %arg5[%sub3A_132, %dma_wait3A_138] : memref<2x256xi32, #tpu.memory_space<vmem>> -> memref<1x256xi32, #tpu.memory_space<vmem>>
        %dma_wait3A_140 = tpu.memref_squeeze %dma_wait3A_139 : memref<1x256xi32, #tpu.memory_space<vmem>> -> memref<256xi32, #tpu.memory_space<vmem>>
        %dma_wait3A_141 = arith.constant 0 : i32
        %dma_wait3A_142 = tpu.memref_slice %arg2[%dma_wait3A_141] : memref<204800xi32, #tpu.memory_space<hbm>> -> memref<256xi32, #tpu.memory_space<hbm>>
        tpu.wait_dma2 semaphore(%arg7 : memref<!tpu.dma_semaphore, #tpu.memory_space<semaphore_mem>>) src(%dma_wait3A_142 : memref<256xi32, #tpu.memory_space<hbm>>) dst(%dma_wait3A_140 : memref<256xi32, #tpu.memory_space<vmem>>)
        %dma_start3A_143 = arith.constant 0 : i32
        %dma_start3A_144 = arith.constant 0 : i32
        %dma_start3A_145 = tpu.memref_slice %arg6[%sub3A_132, %dma_start3A_143, %dma_start3A_144] : memref<2x256x128xf32, #tpu.memory_space<vmem>> -> memref<1x128x128xf32, #tpu.memory_space<vmem>>
        %dma_start3A_146 = tpu.memref_squeeze %dma_start3A_145 : memref<1x128x128xf32, #tpu.memory_space<vmem>> -> memref<128x128xf32, #tpu.memory_space<vmem>>
        %dma_start3A_147 = arith.constant 0 : i32
        %dma_start3A_148 = tpu.memref_slice %arg5[%sub3A_132, %dma_start3A_147] : memref<2x256xi32, #tpu.memory_space<vmem>> -> memref<1x128xi32, #tpu.memory_space<vmem>>
        %dma_start3A_149 = tpu.memref_squeeze %dma_start3A_148 : memref<1x128xi32, #tpu.memory_space<vmem>> -> memref<128xi32, #tpu.memory_space<vmem>>
        %dma_start3A_150 = arith.constant 0 : i32
        %dma_start3A_151 = arith.constant 0 : i32
        %dma_start3A_152 = tpu.memref_slice %arg3[%dma_start3A_150, %dma_start3A_151] : memref<1000000x128xf32, #tpu.memory_space<hbm>> -> memref<1000000x128xf32, #tpu.memory_space<hbm>>
        tpu.enqueue_indirect_dma source(%dma_start3A_152 : memref<1000000x128xf32, #tpu.memory_space<hbm>>) target(%dma_start3A_146 : memref<128x128xf32, #tpu.memory_space<vmem>>) offsets(%dma_start3A_149 : memref<128xi32, #tpu.memory_space<vmem>>) semaphore(%arg8 : memref<!tpu.dma_semaphore, #tpu.memory_space<semaphore_mem>>)
        %dma_start3A_153 = arith.constant 128 : i32
        %dma_start3A_154 = arith.constant 0 : i32
        %dma_start3A_155 = tpu.memref_slice %arg6[%sub3A_132, %dma_start3A_153, %dma_start3A_154] : memref<2x256x128xf32, #tpu.memory_space<vmem>> -> memref<1x128x128xf32, #tpu.memory_space<vmem>>
        %dma_start3A_156 = tpu.memref_squeeze %dma_start3A_155 : memref<1x128x128xf32, #tpu.memory_space<vmem>> -> memref<128x128xf32, #tpu.memory_space<vmem>>
        %dma_start3A_157 = arith.constant 128 : i32
        %dma_start3A_158 = tpu.memref_slice %arg5[%sub3A_132, %dma_start3A_157] : memref<2x256xi32, #tpu.memory_space<vmem>> -> memref<1x128xi32, #tpu.memory_space<vmem>>
        %dma_start3A_159 = tpu.memref_squeeze %dma_start3A_158 : memref<1x128xi32, #tpu.memory_space<vmem>> -> memref<128xi32, #tpu.memory_space<vmem>>
        %dma_start3A_160 = arith.constant 0 : i32
        %dma_start3A_161 = arith.constant 0 : i32
        %dma_start3A_162 = tpu.memref_slice %arg3[%dma_start3A_160, %dma_start3A_161] : memref<1000000x128xf32, #tpu.memory_space<hbm>> -> memref<1000000x128xf32, #tpu.memory_space<hbm>>
        tpu.enqueue_indirect_dma source(%dma_start3A_162 : memref<1000000x128xf32, #tpu.memory_space<hbm>>) target(%dma_start3A_156 : memref<128x128xf32, #tpu.memory_space<vmem>>) offsets(%dma_start3A_159 : memref<128xi32, #tpu.memory_space<vmem>>) semaphore(%arg8 : memref<!tpu.dma_semaphore, #tpu.memory_space<semaphore_mem>>)
      } else {
      }
      %dma_wait3A_97 = arith.constant 0 : i32
      %dma_wait3A_98 = arith.constant 0 : i32
      %dma_wait3A_99 = tpu.memref_slice %arg6[%rem3A_83, %dma_wait3A_97, %dma_wait3A_98] : memref<2x256x128xf32, #tpu.memory_space<vmem>> -> memref<1x256x128xf32, #tpu.memory_space<vmem>>
      %dma_wait3A_100 = tpu.memref_squeeze %dma_wait3A_99 : memref<1x256x128xf32, #tpu.memory_space<vmem>> -> memref<256x128xf32, #tpu.memory_space<vmem>>
      %dma_wait3A_101 = arith.constant 0 : i32
      %dma_wait3A_102 = arith.constant 0 : i32
      %dma_wait3A_103 = tpu.memref_slice %arg3[%dma_wait3A_101, %dma_wait3A_102] : memref<1000000x128xf32, #tpu.memory_space<hbm>> -> memref<256x128xf32, #tpu.memory_space<hbm>>
      %dma_wait3A_104 = arith.constant 0 : i32
      %dma_wait3A_105 = arith.constant 0 : i32
      %dma_wait3A_106 = tpu.memref_slice %arg6[%rem3A_83, %dma_wait3A_104, %dma_wait3A_105] : memref<2x256x128xf32, #tpu.memory_space<vmem>> -> memref<1x256x128xf32, #tpu.memory_space<vmem>>
      %dma_wait3A_107 = tpu.memref_squeeze %dma_wait3A_106 : memref<1x256x128xf32, #tpu.memory_space<vmem>> -> memref<256x128xf32, #tpu.memory_space<vmem>>
      %dma_wait3A_108 = arith.constant 0 : i32
      %dma_wait3A_109 = arith.constant 0 : i32
      %dma_wait3A_110 = tpu.memref_slice %arg3[%dma_wait3A_108, %dma_wait3A_109] : memref<1000000x128xf32, #tpu.memory_space<hbm>> -> memref<256x128xf32, #tpu.memory_space<hbm>>
      tpu.wait_dma2 semaphore(%arg8 : memref<!tpu.dma_semaphore, #tpu.memory_space<semaphore_mem>>) src(%dma_wait3A_110 : memref<256x128xf32, #tpu.memory_space<hbm>>) dst(%dma_wait3A_107 : memref<256x128xf32, #tpu.memory_space<vmem>>)
      %add3A_111 = arith.constant 2 : i32
      %add3A_112 = arith.addi %scan3A_81, %add3A_111 : i32
      %lt3A_113 = arith.constant 25 : i32
      %lt3A_114 = arith.cmpi slt, %add3A_112, %lt3A_113 : i32
      %convert_element_type3A_115 = arith.extui %lt3A_114 : i1 to i32
      %cond3A_116 = arith.constant 0 : i32
      %cond3A_117 = arith.cmpi ne, %convert_element_type3A_115, %cond3A_116 : i32
      scf.if %cond3A_117 {
        %add3A_130 = arith.constant 2 : i32
        %add3A_131 = arith.addi %scan3A_81, %add3A_130 : i32
        %mul3A_132 = arith.constant 32 : i32
        %mul3A_133 = arith.muli %add3A_131, %mul3A_132 : i32
        %add3A_134 = arith.addi %mul3A_133, %add3A : i32
        %mul3A_135 = arith.constant 256 : i32
        %mul3A_136 = arith.muli %add3A_134, %mul3A_135 : i32
        %dma_start3A_137 = arith.constant 0 : i32
        %dma_start3A_138 = tpu.memref_slice %arg5[%rem3A_83, %dma_start3A_137] : memref<2x256xi32, #tpu.memory_space<vmem>> -> memref<1x256xi32, #tpu.memory_space<vmem>>
        %dma_start3A_139 = tpu.memref_squeeze %dma_start3A_138 : memref<1x256xi32, #tpu.memory_space<vmem>> -> memref<256xi32, #tpu.memory_space<vmem>>
        %dma_start3A_140 = tpu.memref_slice %arg2[%mul3A_136] : memref<204800xi32, #tpu.memory_space<hbm>> -> memref<256xi32, #tpu.memory_space<hbm>>
        %dma_start3A_141 = arith.constant 0 : i32
        %dma_start3A_142 = tpu.memref_slice %arg5[%rem3A_83, %dma_start3A_141] : memref<2x256xi32, #tpu.memory_space<vmem>> -> memref<1x256xi32, #tpu.memory_space<vmem>>
        %dma_start3A_143 = tpu.memref_squeeze %dma_start3A_142 : memref<1x256xi32, #tpu.memory_space<vmem>> -> memref<256xi32, #tpu.memory_space<vmem>>
        %dma_start3A_144 = tpu.memref_slice %arg2[%mul3A_136] : memref<204800xi32, #tpu.memory_space<hbm>> -> memref<256xi32, #tpu.memory_space<hbm>>
        tpu.enqueue_dma source(%dma_start3A_144 : memref<256xi32, #tpu.memory_space<hbm>>) target(%dma_start3A_143 : memref<256xi32, #tpu.memory_space<vmem>>) target_semaphore(%arg7 : memref<!tpu.dma_semaphore, #tpu.memory_space<semaphore_mem>>)
      } else {
      }
      %dma_start3A_118 = arith.constant 0 : i32
      %dma_start3A_119 = arith.constant 0 : i32
      %dma_start3A_120 = tpu.memref_slice %arg6[%rem3A_83, %dma_start3A_118, %dma_start3A_119] : memref<2x256x128xf32, #tpu.memory_space<vmem>> -> memref<1x256x128xf32, #tpu.memory_space<vmem>>
      %dma_start3A_121 = tpu.memref_squeeze %dma_start3A_120 : memref<1x256x128xf32, #tpu.memory_space<vmem>> -> memref<256x128xf32, #tpu.memory_space<vmem>>
      %dma_start3A_122 = arith.constant 0 : i32
      %dma_start3A_123 = tpu.memref_slice %arg4[%mul3A_88, %dma_start3A_122] : memref<204800x128xf32, #tpu.memory_space<hbm>> -> memref<256x128xf32, #tpu.memory_space<hbm>>
      %dma_start3A_124 = arith.constant 0 : i32
      %dma_start3A_125 = tpu.memref_slice %arg4[%mul3A_88, %dma_start3A_124] : memref<204800x128xf32, #tpu.memory_space<hbm>> -> memref<256x128xf32, #tpu.memory_space<hbm>>
      %dma_start3A_126 = arith.constant 0 : i32
      %dma_start3A_127 = arith.constant 0 : i32
      %dma_start3A_128 = tpu.memref_slice %arg6[%rem3A_83, %dma_start3A_126, %dma_start3A_127] : memref<2x256x128xf32, #tpu.memory_space<vmem>> -> memref<1x256x128xf32, #tpu.memory_space<vmem>>
      %dma_start3A_129 = tpu.memref_squeeze %dma_start3A_128 : memref<1x256x128xf32, #tpu.memory_space<vmem>> -> memref<256x128xf32, #tpu.memory_space<vmem>>
      tpu.enqueue_dma source(%dma_start3A_129 : memref<256x128xf32, #tpu.memory_space<vmem>>) target(%dma_start3A_125 : memref<256x128xf32, #tpu.memory_space<hbm>>) target_semaphore(%arg9 : memref<!tpu.dma_semaphore, #tpu.memory_space<semaphore_mem>>)
    }
    %scan3A_64 = arith.constant 25 : i32
    %rem3A = arith.constant 24 : i32
    %rem3A_65 = arith.constant 2 : i32
    %rem3A_66 = arith.remsi %rem3A, %rem3A_65 : i32
    %dma_wait3A_67 = arith.constant 0 : i32
    %dma_wait3A_68 = arith.constant 0 : i32
    %dma_wait3A_69 = tpu.memref_slice %arg6[%rem3A_66, %dma_wait3A_67, %dma_wait3A_68] : memref<2x256x128xf32, #tpu.memory_space<vmem>> -> memref<1x256x128xf32, #tpu.memory_space<vmem>>
    %dma_wait3A_70 = tpu.memref_squeeze %dma_wait3A_69 : memref<1x256x128xf32, #tpu.memory_space<vmem>> -> memref<256x128xf32, #tpu.memory_space<vmem>>
    %dma_wait3A_71 = arith.constant 0 : i32
    %dma_wait3A_72 = arith.constant 0 : i32
    %dma_wait3A_73 = tpu.memref_slice %arg3[%dma_wait3A_71, %dma_wait3A_72] : memref<1000000x128xf32, #tpu.memory_space<hbm>> -> memref<256x128xf32, #tpu.memory_space<hbm>>
    %dma_wait3A_74 = arith.constant 0 : i32
    %dma_wait3A_75 = arith.constant 0 : i32
    %dma_wait3A_76 = tpu.memref_slice %arg6[%rem3A_66, %dma_wait3A_74, %dma_wait3A_75] : memref<2x256x128xf32, #tpu.memory_space<vmem>> -> memref<1x256x128xf32, #tpu.memory_space<vmem>>
    %dma_wait3A_77 = tpu.memref_squeeze %dma_wait3A_76 : memref<1x256x128xf32, #tpu.memory_space<vmem>> -> memref<256x128xf32, #tpu.memory_space<vmem>>
    %dma_wait3A_78 = arith.constant 0 : i32
    %dma_wait3A_79 = arith.constant 0 : i32
    %dma_wait3A_80 = tpu.memref_slice %arg3[%dma_wait3A_78, %dma_wait3A_79] : memref<1000000x128xf32, #tpu.memory_space<hbm>> -> memref<256x128xf32, #tpu.memory_space<hbm>>
    tpu.wait_dma2 semaphore(%arg9 : memref<!tpu.dma_semaphore, #tpu.memory_space<semaphore_mem>>) src(%dma_wait3A_80 : memref<256x128xf32, #tpu.memory_space<hbm>>) dst(%dma_wait3A_77 : memref<256x128xf32, #tpu.memory_space<vmem>>)
    return
  }
}

</mosaic_0001>

<sc_bundles>
// kernel: _sc_gather.3.cloned.1.call-start
scs
__scs_entry_jumppad:
0x0: {  	(pc) =	sbr.rel $0x88, $3  }
0x1: {  	(tag) =	ssettag $0x0;
	lr =	simm.s32 $0x1  }
0x2: {  	[smem:$0x3F9F] =	sst lr;
	_ =	strace $0xD0000000  }
0x3: {  	_ = 	snop  }
0x4: {  	_ = 	snop  }
0x5: {  	_ = 	snop  }
0x6: {  	_ = 	snop  }
0x7: {  	_ = 	snop  }
__scs_overlays_trampoline_lowered:
0x8: {  	[smem:$0x3FAE] =	sst s0  }
0x9: {  	[smem:$0x3FAF] =	sst s1  }
0xa: {  	[smem:$0x3FB0] =	sst s2  }
0xb: {  	[smem:$0x3FB1] =	sst s3  }
0xc: {  	[smem:$0x3FB2] =	sst s4  }
0xd: {  	[smem:$0x3FB3] =	sst s5  }
0xe: {  	[smem:$0x3FB4] =	sst s6  }
0xf: {  	[smem:$0x3FB5] =	sst s7  }
0x10: {  	[smem:$0x3FB6] =	sst s8  }
0x11: {  	[smem:$0x3FB7] =	sst s9;
	s0 =	simm.s32 @!p0 $0x0  }
0x12: {  	s1 =	sld [smem:$0x3F9D];
	s0 =	simm.s32 @p0 $0x1  }
0x13: {  	[smem:$0x3FB8] =	sst s0;
	s0 =	simm.s32 @!p1 $0x0  }
0x14: {  	s2 =	sld [smem:$0x3F9C];
	s0 =	simm.s32 @p1 $0x1  }
0x15: {  	[smem:$0x3FB9] =	sst s0;
	s0 =	simm.s32 @!p2 $0x0  }
0x16: {  	s3 =	sld [smem:$0x3FDB];
	s0 =	simm.s32 @p2 $0x1  }
0x17: {  	s4 =	simm.s32 $0x1BF5;
	[smem:$0x3FBB] =	sst s0  }
0x18: {  	s0 =	sld [smem:$0x3F9E];
	_ =	swait.ge [sflag:s4], $0x0  }
0x19: {  	s7 =	sld [smem:$0x3F9F]  }
0x1a: {  	s8 =	sadd.s32 $0xFFFFE003, lr  }
0x1b: {  	s9 =	sadd.s32 $0xFFFFFEF7, lr;
	s5 =	simm.s32 $0xFFFFFFFF;
	p2 =	slt.u32 s8, $0xFFFFF086  }
0x1c: {  	p1 =	slt.u32 s9, $0xF7A;
	s5 =	simm.s32 @!p2 $0x0  }
0x1d: {  	s5 =	simm.s32 @p1 $0x1;
	p0 =	seq.s32 s7, s2  }
0x1e: {  	s7 =	smul.u32 @!p0 $0xF7A, s2;
	p2 =	seq.s32 @!p0 s5, $0x0  }
0x1f: {  	s9 =	smul.u32 $0xF7A, s1;
	s8 =	simm.s32 @!p0 $0x1BF5;
	p2 =	por !p2, p0  }
0x20: {  	[sflag:s8] =	ssyncset.s32 @!p0 $0xFFFFF086;
	s6 =	sadd.s32 @!p0 s3, s7;
	s7 =	simm.s32 @!p0 $0x108  }
0x21: {  	s3 =	sadd.s32 s3, s9;
	s6 =	sadd.s32 @!p0 $0x88, s6;
	s7 =	simm.s32 @p2 $0x1082  }
0x22: {  	[simem:s7], [sflag:s8] =	dma.local @!p0 [hbm:s6], $0xF7A  }
0x23: {  	s9 =	sor.u32 $0xD0000000, s2;
	s6 =	simm.s32 $0x108;
	_ =	swait.ge @!p0 [sflag:s8], $0x0  }
0x24: {  	s3 =	sadd.s32 $0x88, s3;
	s6 =	simm.s32 @!p1 $0x1082;
	[sflag:s4] =	ssyncset.s32 $0xFFFFF086  }
0x25: {  	[simem:s6], [sflag:s4] =	dma.local [hbm:s3], $0xF7A  }
0x26: {  	[smem:$0x3F9F] =	sst s1;
	(tag) =	ssettag s2;
	_ =	strace s9  }
0x27: {  	s1 =	sld [smem:$0x3FAF]  }
0x28: {  	s2 =	sld [smem:$0x3FB0]  }
0x29: {  	s4 =	sld [smem:$0x3FB2]  }
0x2a: {  	p0 =	seq.s32 s5, $0x0;
	s5 =	sld [smem:$0x3FB3]  }
0x2b: {  	s6 =	sld [smem:$0x3FB4]  }
0x2c: {  	s7 =	sld [smem:$0x3FB5]  }
0x2d: {  	s3 =	simm.s32 $0x108;
	s8 =	sld [smem:$0x3FB6]  }
0x2e: {  	s3 =	simm.s32 @!p0 $0x1082;
	s9 =	sld [smem:$0x3FB7]  }
0x2f: {  	lr =	sadd.s32 s0, s3;
	s0 =	sld [smem:$0x3FAE]  }
0x30: {  	s3 =	sld [smem:$0x3FB1]  }
0x31: {  	[smem:$0x3FBA] =	sst s10  }
0x32: {  	s10 =	sld [smem:$0x3FB8];
	_ =	sdelay $0x3  }
0x33: {  	p0 =	seq.s32 s10, $0x1;
	s10 =	sld [smem:$0x3FBA];
	_ =	sdelay $0x3  }
0x34: {  	[smem:$0x3FBA] =	sst s10  }
0x35: {  	s10 =	sld [smem:$0x3FB9];
	_ =	sdelay $0x3  }
0x36: {  	p1 =	seq.s32 s10, $0x1;
	s10 =	sld [smem:$0x3FBA];
	_ =	sdelay $0x3  }
0x37: {  	[smem:$0x3FBA] =	sst s10  }
0x38: {  	s10 =	sld [smem:$0x3FBB]  }
0x39: {  	_ = 	snop;
	(pc) =	sbr.ind lr, $3  }
0x3a: {  	_ = 	snop  }
0x3b: {  	_ = 	snop  }
0x3c: {  	p2 =	seq.s32 s10, $0x1;
	s10 =	sld [smem:$0x3FBA]  }
0x3d: {  	_ =	shalt  }
0x3e: {  	_ =	shalt  }
0x3f: {  	_ =	shalt  }
0x40: {  	_ =	shalt  }
0x41: {  	_ =	shalt  }
0x42: {  	_ =	shalt  }
0x43: {  	_ =	shalt  }
0x44: {  	_ =	shalt  }
0x45: {  	_ =	shalt  }
0x46: {  	_ =	shalt  }
0x47: {  	_ =	shalt  }
0x48: {  	_ =	shalt  }
0x49: {  	_ =	shalt  }
0x4a: {  	_ =	shalt  }
0x4b: {  	_ =	shalt  }
0x4c: {  	_ =	shalt  }
0x4d: {  	_ =	shalt  }
0x4e: {  	_ =	shalt  }
0x4f: {  	_ =	shalt  }
0x50: {  	_ =	shalt  }
0x51: {  	_ =	shalt  }
0x52: {  	_ =	shalt  }
0x53: {  	_ =	shalt  }
0x54: {  	_ =	shalt  }
0x55: {  	_ =	shalt  }
0x56: {  	_ =	shalt  }
0x57: {  	_ =	shalt  }
0x58: {  	_ =	shalt  }
0x59: {  	_ =	shalt  }
0x5a: {  	_ =	shalt  }
0x5b: {  	_ =	shalt  }
0x5c: {  	_ =	shalt  }
0x5d: {  	_ =	shalt  }
0x5e: {  	_ =	shalt  }
0x5f: {  	_ =	shalt  }
0x60: {  	_ =	shalt  }
0x61: {  	_ =	shalt  }
0x62: {  	_ =	shalt  }
0x63: {  	_ =	shalt  }
0x64: {  	_ =	shalt  }
0x65: {  	_ =	shalt  }
0x66: {  	_ =	shalt  }
0x67: {  	_ =	shalt  }
0x68: {  	_ =	shalt  }
0x69: {  	_ =	shalt  }
0x6a: {  	_ =	shalt  }
0x6b: {  	_ =	shalt  }
0x6c: {  	_ =	shalt  }
0x6d: {  	_ =	shalt  }
0x6e: {  	_ =	shalt  }
0x6f: {  	_ =	shalt  }
0x70: {  	_ =	shalt  }
0x71: {  	_ =	shalt  }
0x72: {  	_ =	shalt  }
0x73: {  	_ =	shalt  }
0x74: {  	_ =	shalt  }
0x75: {  	_ =	shalt  }
0x76: {  	_ =	shalt  }
0x77: {  	_ =	shalt  }
0x78: {  	_ =	shalt  }
0x79: {  	_ =	shalt  }
0x7a: {  	_ =	shalt  }
0x7b: {  	_ =	shalt  }
0x7c: {  	_ =	shalt  }
0x7d: {  	_ =	shalt  }
0x7e: {  	_ =	shalt  }
0x7f: {  	_ =	shalt  }
0x80: {  	_ =	shalt  }
0x81: {  	_ =	shalt  }
0x82: {  	_ =	shalt  }
0x83: {  	_ =	shalt  }
0x84: {  	_ =	shalt  }
0x85: {  	_ =	shalt  }
0x86: {  	_ =	shalt  }
0x87: {  	_ =	shalt  }
.Lfunc_end0:
.L_simem_size_0:
called_computation_lowered:
.L_overlay_start_0:
0x88: {  	s2 =	sld [smem:$0x3FD9]  }
0x89: {  	s3 =	sld [smem:$0x3FFE];
	_ =	sdelay $0x1  }
0x8a: {  	s1 =	srdreg.scid  }
0x8b: {  	s0 =	sand.u32 $0x1, s1  }
0x8c: {  	s18 =	sshll.u32 s0, $0xA;
	s2 =	sadd.s32 s3, s2  }
0x8d: {  	s2 =	sadd.s32 s2, s18  }
0x8e: {  	[smem:$0x3FC6] =	sst s2  }
0x8f: {  	_ = 	snop  }
0x90: {  	s2 =	sld [smem:$0x3FC9]  }
0x91: {  	s19 =	sld [smem:$0x3FC8]  }
0x92: {  	s4 =	sld [smem:$0x3FD0];
	(tm) =	ssettm $0x1  }
0x93: {  	s5 =	sld [smem:$0x3FFB];
	_ =	sdelay $0x3  }
0x94: {  	_ =	strace s5  }
0x95: {  	s5 =	sld [smem:$0x3FFC];
	_ =	sdelay $0x3  }
0x96: {  	_ =	strace s5  }
0x97: {  	s5 =	sld [smem:$0x3FFD];
	_ =	sdelay $0x3  }
0x98: {  	_ =	strace s5  }
0x99: {  	_ =	strace $0x8FFFFFFF  }
0x9a: {  	s20 =	sld [smem:$0x3FDB];
	_ =	sdelay $0x1  }
0x9b: {  	s6 =	simm.s32 $_scs_section_size  }
0x9c: {  	s7 =	simm.s32 $_size__tile_overlayer_lowered;
	s8 =	simm.s32 $_tile_overlayer_lowered  }
0x9d: {  	s23 =	simm.s32 $0x1BFF;
	s22 =	sshll.u32 s8, $0x1;
	s5 =	sadd.s32 s6, s20  }
0x9e: {  	s9 =	simm.s32 $0x0;
	s21 =	sshll.u32 s7, $0x1;
	s7 =	sadd.s32 s22, s5  }
0x9f: {  	[timem:s9], [sflag:s23] =	dma.local [hbm:s7], s21  }
0xa0: {  	_ =	swait.ge [sflag:s23], s21  }
0xa1: {  	s6 =	ssub.s32 $0x0, s21;
	[sflag:s23] =	ssyncset.done $0x0  }
0xa2: {  	[sflag:s23] =	ssyncadd.s32 s6;
	_ =	sdelay $0x1  }
0xa3: {  	s24 =	simm.s32 $0x1B8B  }
0xa4: {  	_ =	swait.ge [sflag:s24], $0x1  }
0xa5: {  	[sflag:s24] =	ssyncset.done $0x0  }
0xa6: {  	s25 =	simm.s32 $0x1B8E;
	[sflag:s24] =	ssyncadd.s32 $0xFFFFFFFF  }
0xa7: {  	s26 =	simm.s32 $execute0_lowered;
	[smem:$0x3FD2] =	sst s25  }
0xa8: {  	s6 =	sshll.u32 s26, $0x1;
	_ =	strace $0x80000046;
	[dreg:$0x1] =	wrdreg $0xFFFFFFFF  }
0xa9: {  	s28 =	simm.s32 $_size_execute0_lowered;
	s5 =	sadd.s32 s5, s6;
	[dreg:$0x0] =	wrdreg $0x0  }
0xaa: {  	s6 =	sshll.u32 s28, $0x1;
	[dreg:$0x2] =	wrdreg s5  }
0xab: {  	[dreg:$0x3] =	wrdreg s6  }
0xac: {  	[dreg:$0x4] =	wrdreg $0xC0  }
0xad: {  	_ =	task [dreg:s9], $0x5FFFF  }
0xae: {  	[dreg:$0x1] =	wrdreg $0xFFFFFFFF  }
0xaf: {  	[dreg:$0x0] =	wrdreg $0x60  }
0xb0: {  	[dreg:$0x2] =	wrdreg s2  }
0xb1: {  	[dreg:$0x3] =	wrdreg s19  }
0xb2: {  	[dreg:$0x4] =	wrdreg s4  }
0xb3: {  	[dreg:$0x5] =	wrdreg $0x9  }
0xb4: {  	_ =	task.clear_ibuf [dreg:s9], $0x6FFFF;
	_ =	strace $0x90000046  }
0xb5: {  	s29 =	simm.s32 $0x9;
	_ =	strace $0x80000048  }
0xb6: {  	_ =	swait.ge [sflag:s29], $0x1  }
0xb7: {  	[sflag:s29] =	ssyncadd.s32 $0xFFFFFFFF  }
0xb8: {  	_ =	strace $0x90000048  }
0xb9: {  	_ =	sfence  }
0xba: {  	s30 =	sld [smem:$0x0];
	_ =	sdelay $0x2  }
0xbb: {  	s31 =	sshll.u32 s1, $0xD;
	s1 =	sshrl.u32 s1, $0x2  }
0xbc: {  	s3 =	sand.u32 $0x4000, s31;
	s1 =	sadd.s32 s1, s30  }
0xbd: {  	s0 =	sor.u32 s3, s0;
	s1 =	sshll.u32 s1, $0x11  }
0xbe: {  	s0 =	sor.u32 s1, s0  }
0xbf: {  	s0 =	sadd.s32 $0x8F2B, s0  }
0xc0: {  	[sflag:s0] =	ssyncadd.remote.s32 $0x1  }
0xc1: {  	_ =	sfence.sel $0xFFFF  }
0xc2: {  	[dreg:$0x0] =	wrdreg $0xFFFFFFFF;
	(pc) =	sbr.abs _section_cstart, $3  }
0xc3: {  	[dreg:$0x1] =	wrdreg $0xFFFFFFFF  }
0xc4: {  	_ =	task.clear_ibuf [dreg:s9], $0x2FFFF;
	_ =	strace $0x9FFFFFFF  }
0xc5: {  	(tm) =	ssettm $0x7FFFFFFF  }
tec
execute0_lowered:
.L_overlay_start_1:
0x0: {  	(tag) =	ssettag $0x1  }
0x1: {  	s4 =	rddreg [dreg:$0x0]  }
0x2: {  	s2 =	rddreg [dreg:$0x1]  }
0x3: {  	s7 =	rddreg [dreg:$0x2]  }
0x4: {  	s0 =	rddreg [dreg:$0x3]  }
0x5: {  	s5 =	srdreg.scid;
	s1 =	stileid.u32;
	s3 =	simm.s32 $0x0  }
0x6: {  	s10 =	simm.s32 $0x100;
	s11 =	simm.s32 $0x1;
	s12 =	simm.s32 $0x80  }
0x7: {  	s13 =	simm.s32 $0x200;
	s14 =	simm.s32 $0x4200;
	s16 =	simm.s32 $0x180  }
0x8: {  	s17 =	simm.s32 $0x2;
	s18 =	simm.s32 $0x3;
	s19 =	simm.s32 $0x0  }
0x9: {  	s5 =	sand.u32 $0x1, s5;
	s6 =	sshll.u32 s1, $0x1;
	[smem:$0x7FF] =	sst s3  }
.Ltmp0:
0xa: {  	s8 =	ssub.s32 $0x2, s5;
	s5 =	sor.u32 s5, s6;
	(pc) =	sbr.rel .LBB2_1-.Ltmp0, $4  }
0xb: {  	_ =	strace $0x80000047;
	s30 =	sshrl.u32 s8, $0x1;
	s9 =	sshll.u32 s5, $0x5  }
0xc: {  	s31 =	sshll.u32 s5, $0xC;
	s8 =	ssub.s32 s8, s30;
	s4 =	sadd.s32 s4, s9  }
0xd: {  	s7 =	sadd.s32 s7, s31;
	s5 =	sadd.s32 $0x400, s4;
	s6 =	sadd.s32 $0x800, s4  }
0xe: {  	s8 =	smax.u32 s8, $0x1;
	s9 =	sadd.s32 $0x10, s4;
	s15 =	sadd.s32 $0x10, s5  }
.LBB2_5:
0xf: {  	s19 =	sadd.s32 $0x1, s19  }
0x10: {  	p0 =	sne.s32 s19, s8  }
.Ltmp1:
0x11: {  	_ = 	snop;
	(pc) =	sbr.rel @!p0 .LBB2_6-.Ltmp1, $4  }
0x12: {  	_ = 	snop  }
0x13: {  	_ =	swait.ge [sflag:s18], $0x8000  }
0x14: {  	[sflag:s18] =	ssyncset.done $0x0  }
0x15: {  	[sflag:s18] =	ssyncadd.s32 $0xFFFF8000  }
.LBB2_1:
0x16: {  	[tilespmem:s3], [sflag:$0x1] =	stream.linear.gather [hbm4b:s4+s3], $0x80, $0x38;
	[tilespmem:$0x10200] =	vst v63  }
0x17: {  	_ = 	snop  }
0x18: {  	[tilespmem:s10], [sflag:$0x1] =	stream.linear.gather [hbm4b:s9+s3], $0x80, $0x38;
	[tilespmem:$0x10200] =	vst v63  }
0x19: {  	_ =	swait.ge [sflag:s11], $0x100  }
0x1a: {  	[sflag:s11] =	ssyncset.done $0x0  }
0x1b: {  	[sflag:s11] =	ssyncadd.s32 $0xFFFFFF00  }
0x1c: {  	[tilespmem:s13], [sflag:$0x2] =	stream.indirect.gather [hbm4b:s2+s12], $0x80, s3, s12, $0xb8;
	[tilespmem:$0x10200] =	vst v63  }
0x1d: {  	_ = 	snop  }
0x1e: {  	[tilespmem:s14], [sflag:$0x2] =	stream.indirect.gather [hbm4b:s2+s12], $0x80, s10, s12, $0xb8;
	[tilespmem:$0x10200] =	vst v63  }
.Ltmp2:
0x1f: {  	_ = 	snop;
	(pc) =	sbr.rel .LBB2_2-.Ltmp2, $4  }
0x20: {  	_ = 	snop  }
0x21: {  	[tilespmem:s12], [sflag:$0x1] =	stream.linear.gather [hbm4b:s5+s3], $0x80, $0x38;
	[tilespmem:$0x10200] =	vst v63  }
0x22: {  	s20 =	simm.s32 $0x0  }
0x23: {  	[tilespmem:s16], [sflag:$0x1] =	stream.linear.gather [hbm4b:s15+s3], $0x80, $0x38;
	[tilespmem:$0x10200] =	vst v63  }
.LBB2_4:
0x24: {  	_ =	swait.ge [sflag:s17], $0x8000  }
0x25: {  	s23 =	sshll.u32 s20, $0x11;
	p0 =	sgt.u32 s20, $0x16;
	[sflag:s17] =	ssyncset.done $0x0  }
0x26: {  	s24 =	sshll.u32 @!p0 s20, $0x7;
	s20 =	sshll.u32 @!p0 s20, $0xA;
	s25 =	simm.s32 @!p0 $0x0  }
0x27: {  	[sflag:s17] =	ssyncadd.s32 $0xFFFF8000;
	s24 =	sand.u32 @!p0 $0x80, s24;
	s20 =	sadd.s32 @!p0 s20, s6  }
0x28: {  	[tilespmem:s24], [sflag:$0x1] =	stream.linear.gather @!p0 [hbm4b:s20+s25], $0x80, $0x38;
	[tilespmem:$0x10200] =	vst v63  }
0x29: {  	s20 =	sadd.s32 @!p0 $0x10, s20;
	s24 =	sor.u32 @!p0 $0x100, s24  }
0x2a: {  	[tilespmem:s24], [sflag:$0x1] =	stream.linear.gather @!p0 [hbm4b:s20+s25], $0x80, $0x38;
	[tilespmem:$0x10200] =	vst v63  }
0x2b: {  	p0 =	slt.u32 s22, $0x19  }
.Ltmp3:
0x2c: {  	_ = 	snop;
	(pc) =	sbr.rel @!p0 .LBB2_5-.Ltmp3, $4  }
0x2d: {  	_ = 	snop  }
0x2e: {  	s21 =	sshll.u32 s21, $0xF  }
0x2f: {  	s30 =	sor.u32 $0x200, s21;
	s31 =	sadd.s32 s23, s7;
	s20 =	smov.u32 s22  }
0x30: {  	[hbm4b:s31+s3] =	stream.linear.scatter [tilespmem:s30], [sflag:$0x3], $0x8000, $0x38;
	[tilespmem:$0x10200] =	vst v63  }
.LBB2_2:
0x31: {  	p0 =	seq.s32 s20, $0x0  }
0x32: {  	p1 =	seq.s32 @!p0 s20, $0x18  }
0x33: {  	p1 =	por p0, !p1  }
.Ltmp4:
0x34: {  	_ = 	snop;
	(pc) =	sbr.rel @!p1 .LBB2_4-.Ltmp4, $4  }
0x35: {  	s22 =	simm.s32 @!p0 $0x3  }
0x36: {  	_ =	swait.ge @!p0 [sflag:s22], $0x8000  }
0x37: {  	[sflag:s22] =	ssyncset.done @!p0 $0x0  }
0x38: {  	s21 =	sand.u32 $0x1, s20;
	[sflag:s22] =	ssyncadd.s32 @!p0 $0xFFFF8000;
	s22 =	simm.s32 @!p0 $0x19  }
0x39: {  	s22 =	sxor.u32 $0x1, s21;
	_ =	swait.ge [sflag:s11], $0x100  }
0x3a: {  	[sflag:s11] =	ssyncset.done $0x0;
	s23 =	sshll.u32 s22, $0xF  }
0x3b: {  	s22 =	sshll.u32 s22, $0x7;
	[sflag:s11] =	ssyncadd.s32 $0xFFFFFF00;
	s24 =	sor.u32 $0x200, s23  }
0x3c: {  	[tilespmem:s24], [sflag:$0x2] =	stream.indirect.gather [hbm4b:s2+s12], $0x80, s22, s12, $0xb8;
	[tilespmem:$0x10200] =	vst v63  }
.Ltmp5:
0x3d: {  	_ = 	snop;
	(pc) =	sbr.rel .LBB2_4-.Ltmp5, $4  }
0x3e: {  	s23 =	sor.u32 $0x4200, s23;
	s22 =	sor.u32 $0x100, s22  }
0x3f: {  	[tilespmem:s23], [sflag:$0x2] =	stream.indirect.gather [hbm4b:s2+s12], $0x80, s22, s12, $0xb8;
	[tilespmem:$0x10200] =	vst v63  }
0x40: {  	s22 =	sadd.s32 @!p0 $0x1, s20  }
0x41: {  	s22 =	simm.s32 @p0 $0x1  }
.LBB2_6:
0x42: {  	_ =	sfence.sel $0x180000  }
0x43: {  	[bflag:$0x0] =	sbarrier.arrive $0xFFFF  }
0x44: {  	p0 =	sne.s32 s1, $0x0;
	_ =	strace $0x90000047  }
0x45: {  	s0 =	sadd.s32 @!p0 $0x100000, s0;
	[bflag:$0x2] =	sbarrier.arrive $0xFFFF  }
0x46: {  	[sflag:s0] =	ssyncadd.tile.s32 @!p0 $0x1;
	_ =	shalt  }
.Lfunc_end2:
_tile_overlayer_lowered:
.L_overlay_start_2:
0x47: {  	(tag) =	ssettag $0x2  }
0x48: {  	s0 =	rddreg [dreg:$0x0];
	s2 =	stileid.u32  }
0x49: {  	s1 =	rddreg [dreg:$0x1];
	p0 =	sne.s32 s2, $0x0  }
0x4a: {  	s3 =	rddreg [dreg:$0x2];
	[bflag:$0x3] =	sbarrier.arrive $0xFFFF;
	s2 =	simm.s32 @!p0 $0x1C04  }
0x4b: {  	[timem:s3], [sflag:s2] =	dma.local @!p0 [hbm:s0], s1  }
0x4c: {  	s0 =	simm.s32 @!p0 $0x4  }
0x4d: {  	_ =	swait.ge @!p0 [sflag:s0], s1  }
0x4e: {  	s1 =	ssub.s32 @!p0 $0x0, s1;
	[sflag:s0] =	ssyncset.done @!p0 $0x0  }
0x4f: {  	[sflag:s0] =	ssyncadd.s32 @!p0 s1  }
0x50: {  	[bflag:$0x3] =	sbarrier.arrive $0xFFFF  }
0x51: {  	_ =	shalt  }

</sc_bundles>
